<compile_context>
chip_gen: v7x
topology: tpu7x:2x2x1
jax: 0.10.2.dev20260603
libtpu: 0.0.44.dev20260713+nightly
codegen_flags: <defaults>
</compile_context>

<pallas_src>
import functools

import jax
import jax.numpy as jnp
from jax import lax
from jax.experimental import pallas as pl
from jax.experimental.pallas import tpu as pltpu
from jax.experimental.pallas import tpu_sc as plsc

_NC = 2
_NS = 16
_NW = _NC * _NS


def _proj_body(x_ref, w_ref, o1_ref, o2_ref):
    p = jnp.dot(x_ref[...], w_ref[...], preferred_element_type=jnp.float32)
    o1_ref[...] = p[:, :16]
    o2_ref[...] = p[:, 16:]


def _edge_body(a_ref, g_ref, w_ref, b_ref, o_ref):
    o_ref[...] = (
        jnp.dot(a_ref[...], w_ref[...], preferred_element_type=jnp.float32)
        + b_ref[...]
        + g_ref[...]
    )


def _sc_gather_sum(p1, p2, sidx, ridx):
    E = sidx.shape[0]
    Do = 16
    epw = E // _NW
    C = 1000
    CP = C // 8
    nchunk = epw // C
    mesh = plsc.VectorSubcoreMesh(core_axis_name="c", subcore_axis_name="s")

    @functools.partial(
        pl.kernel,
        mesh=mesh,
        compiler_params=pltpu.CompilerParams(use_tc_tiling_on_sc=False),
        out_type=jax.ShapeDtypeStruct((E // 8, 128), jnp.float32),
        scratch_types=[
            pltpu.VMEM((C,), jnp.int32),
            pltpu.VMEM((C,), jnp.int32),
            pltpu.VMEM((C, Do), jnp.float32),
            pltpu.VMEM((C, Do), jnp.float32),
            pltpu.VMEM((CP, 128), jnp.float32),
            pltpu.SemaphoreType.DMA,
            pltpu.SemaphoreType.DMA,
        ],
    )
    def k(p1_hbm, p2_hbm, s_hbm, r_hbm, out_hbm,
          sidx_v, ridx_v, rows1_v, rows2_v, out_v, sem1, sem2):
        wid = lax.axis_index("s") * _NC + lax.axis_index("c")
        base = wid * epw

        def chunk(kk, carry):
            off = base + kk * C
            poff = off // 8
            pltpu.sync_copy(s_hbm.at[pl.ds(off, C)], sidx_v)
            pltpu.sync_copy(r_hbm.at[pl.ds(off, C)], ridx_v)
            cp1 = pltpu.async_copy(p1_hbm.at[sidx_v], rows1_v, sem1)
            cp2 = pltpu.async_copy(p2_hbm.at[ridx_v], rows2_v, sem2)
            cp1.wait()
            cp2.wait()

            def blk(jj, c2):
                i = jj * 8
                for t in range(8):
                    out_v[jj, 16 * t:16 * (t + 1)] = (
                        rows1_v[i + t, :] + rows2_v[i + t, :]
                    )
                return c2

            lax.fori_loop(0, CP, blk, 0)
            pltpu.sync_copy(out_v, out_hbm.at[pl.ds(poff, CP)])
            return carry

        lax.fori_loop(0, nchunk, chunk, 0)

    return k(p1, p2, sidx, ridx)


def kernel(x, edge_index, edge_attr, W, b):
    N, D = x.shape
    E = edge_index.shape[1]
    Do = W.shape[1]

    W1 = W[:D]
    W2 = W[D:2 * D]
    W3 = W[2 * D:]
    Wn = jnp.concatenate([W1, W2], axis=1)

    p1, p2 = pl.pallas_call(
        _proj_body,
        out_shape=[
            jax.ShapeDtypeStruct((N, Do), jnp.float32),
            jax.ShapeDtypeStruct((N, Do), jnp.float32),
        ],
    )(x, Wn)

    pack = 128 // Do
    EP = E // pack
    w3_big = jnp.kron(jnp.eye(pack, dtype=W.dtype), W3)
    b_big = jnp.tile(b, pack).reshape(1, 128)

    gp = _sc_gather_sum(p1, p2, edge_index[0], edge_index[1])
    ea_p = edge_attr.reshape(EP, 128)
    BE = 5000
    outp = pl.pallas_call(
        _edge_body,
        grid=(EP // BE,),
        in_specs=[
            pl.BlockSpec((BE, 128), lambda i: (i, 0)),
            pl.BlockSpec((BE, 128), lambda i: (i, 0)),
            pl.BlockSpec((128, 128), lambda i: (0, 0)),
            pl.BlockSpec((1, 128), lambda i: (0, 0)),
        ],
        out_specs=pl.BlockSpec((BE, 128), lambda i: (i, 0)),
        out_shape=jax.ShapeDtypeStruct((EP, 128), jnp.float32),
    )(ea_p, gp, w3_big, b_big)
    return outp.reshape(E, Do)

# --- scband reference (transcript-rebuilt; emitter-appended) ---
"""Pipeline reference for scband-edge-block-14001593385552 (READ-ONLY COPY).

The authoritative reference and input builder live on the scoring server;
editing this copy changes nothing except your own understanding.
"""

import jax, jax.numpy as jnp
import numpy as np

N_NODES = 10000
N_EDGES = 320000
D_FEAT = 128
D_EDGE = 16
D_OUT = 16
D_IN = 2 * D_FEAT + D_EDGE  # 272


def setup_inputs(seed: int = 0) -> dict:
    key = jax.random.key(seed)
    k1, k2, k3, k4 = jax.random.split(key, 4)
    x = jax.random.normal(k1, (N_NODES, D_FEAT), dtype=jnp.float32)
    edge_index = jax.random.randint(k2, (2, N_EDGES), 0, N_NODES, dtype=jnp.int32)
    edge_attr = jax.random.normal(k3, (N_EDGES, D_EDGE), dtype=jnp.float32)
    W = jax.random.normal(k4, (D_IN, D_OUT), dtype=jnp.float32) * (1.0 / np.sqrt(D_IN))
    b = jnp.zeros((D_OUT,), dtype=jnp.float32)
    return {"x": x, "edge_index": edge_index, "edge_attr": edge_attr, "W": W, "b": b}


def reference(x, edge_index, edge_attr, W, b):
    # EdgeBlock.forward: gather sender/receiver node features, concat with
    # edge features, apply the edge net (Linear).
    senders_idx = edge_index[0]
    receivers_idx = edge_index[1]
    senders_attr = jnp.take(x, senders_idx, axis=0)
    receivers_attr = jnp.take(x, receivers_idx, axis=0)
    collected_edges = jnp.concatenate([senders_attr, receivers_attr, edge_attr], axis=1)
    edge_attr_ = collected_edges @ W + b
    return edge_attr_

if __name__ == "__main__":
    import jax
    _d = setup_inputs()
    print(jax.jit(kernel)(*tuple(_d.values())))

</pallas_src>

<mosaic_0001>
#map = affine_map<(d0, d1) -> (0, 0)>
#map1 = affine_map<(d0, d1) -> (0)>
module attributes {stable_mosaic.version = 14 : i64} {
  func.func @k(%arg0: i32, %arg1: i32, %arg2: memref<10000x16xf32, #tpu.memory_space<hbm>>, %arg3: memref<10000x16xf32, #tpu.memory_space<hbm>>, %arg4: memref<320000xi32, #tpu.memory_space<hbm>>, %arg5: memref<320000xi32, #tpu.memory_space<hbm>>, %arg6: memref<40000x128xf32, #tpu.memory_space<hbm>>, %arg7: memref<1000xi32, #tpu.memory_space<vmem>>, %arg8: memref<1000xi32, #tpu.memory_space<vmem>>, %arg9: memref<1000x16xf32, #tpu.memory_space<vmem>>, %arg10: memref<1000x16xf32, #tpu.memory_space<vmem>>, %arg11: memref<125x128xf32, #tpu.memory_space<vmem>>, %arg12: memref<!tpu.dma_semaphore, #tpu.memory_space<semaphore_mem>>, %arg13: memref<!tpu.dma_semaphore, #tpu.memory_space<semaphore_mem>>) attributes {dimension_semantics = [#tpu.dimension_semantics<core_parallel>, #tpu.dimension_semantics<subcore_parallel>], iteration_bounds = array<i64: 2, 16>, scalar_prefetch = 0 : i64, scratch_operands = 7 : i64, tpu.core_type = #tpu.core_type<sc_vector_subcore>, window_params = [{transform_indices = #map}, {transform_indices = #map}, {transform_indices = #map1}, {transform_indices = #map1}, {transform_indices = #map}]} {
    %mul3A = arith.constant 2 : i32
    %mul3A_0 = arith.muli %arg1, %mul3A : i32
    %add3A = arith.addi %mul3A_0, %arg0 : i32
    %mul3A_1 = arith.constant 10000 : i32
    %mul3A_2 = arith.muli %add3A, %mul3A_1 : i32
    %scan3A = arith.constant 0 : i32
    %scan3A_3 = arith.constant 0 : i32
    %scan3A_4 = arith.constant 10 : i32
    %scan3A_5 = arith.addi %scan3A_3, %scan3A_4 : i32
    %scan3A_6 = arith.constant 1 : i32
    scf.for %scan3A_8 = %scan3A_3 to %scan3A_5 step %scan3A_6  : i32 {
      %mul3A_9 = arith.constant 1000 : i32
      %mul3A_10 = arith.muli %scan3A_8, %mul3A_9 : i32
      %add3A_11 = arith.addi %mul3A_2, %mul3A_10 : i32
      %jit3A = arith.constant 8 : i32
      %div3A = arith.divsi %add3A_11, %jit3A : i32
      %sign3A = arith.constant 0 : i32
      %sign3A_12 = arith.cmpi sgt, %add3A_11, %sign3A : i32
      %sign3A_13 = arith.extui %sign3A_12 : i1 to i32
      %sign3A_14 = arith.constant 0 : i32
      %sign3A_15 = arith.cmpi slt, %add3A_11, %sign3A_14 : i32
      %sign3A_16 = arith.extui %sign3A_15 : i1 to i32
      %sign3A_17 = arith.subi %sign3A_13, %sign3A_16 : i32
      %sign3A_18 = arith.constant 0 : i32
      %sign3A_19 = arith.cmpi sgt, %jit3A, %sign3A_18 : i32
      %sign3A_20 = arith.extui %sign3A_19 : i1 to i32
      %sign3A_21 = arith.constant 0 : i32
      %sign3A_22 = arith.cmpi slt, %jit3A, %sign3A_21 : i32
      %sign3A_23 = arith.extui %sign3A_22 : i1 to i32
      %sign3A_24 = arith.subi %sign3A_20, %sign3A_23 : i32
      %ne3A = arith.cmpi ne, %sign3A_17, %sign3A_24 : i32
      %rem3A = arith.remsi %add3A_11, %jit3A : i32
      %ne3A_25 = arith.constant 0 : i32
      %ne3A_26 = arith.cmpi ne, %rem3A, %ne3A_25 : i32
      %and3A = arith.andi %ne3A, %ne3A_26 : i1
      %sub3A = arith.constant 1 : i32
      %sub3A_27 = arith.subi %div3A, %sub3A : i32
      %select_n3A = arith.select %and3A, %sub3A_27, %div3A : i32
      "tpu.region"() ({
        %run_scoped3A = tpu.sem_alloc : memref<!tpu.dma_semaphore, #tpu.memory_space<semaphore_mem>>
        %dma_start3A_44 = tpu.memref_slice %arg4[%add3A_11] : memref<320000xi32, #tpu.memory_space<hbm>> -> memref<1000xi32, #tpu.memory_space<hbm>>
        %dma_start3A_45 = tpu.memref_slice %arg4[%add3A_11] : memref<320000xi32, #tpu.memory_space<hbm>> -> memref<1000xi32, #tpu.memory_space<hbm>>
        tpu.enqueue_dma source(%dma_start3A_45 : memref<1000xi32, #tpu.memory_space<hbm>>) target(%arg7 : memref<1000xi32, #tpu.memory_space<vmem>>) target_semaphore(%run_scoped3A : memref<!tpu.dma_semaphore, #tpu.memory_space<semaphore_mem>>)
        %dma_wait3A_46 = tpu.memref_slice %arg4[%add3A_11] : memref<320000xi32, #tpu.memory_space<hbm>> -> memref<1000xi32, #tpu.memory_space<hbm>>
        %dma_wait3A_47 = tpu.memref_slice %arg4[%add3A_11] : memref<320000xi32, #tpu.memory_space<hbm>> -> memref<1000xi32, #tpu.memory_space<hbm>>
        tpu.wait_dma2 semaphore(%run_scoped3A : memref<!tpu.dma_semaphore, #tpu.memory_space<semaphore_mem>>) src(%dma_wait3A_47 : memref<1000xi32, #tpu.memory_space<hbm>>) dst(%arg7 : memref<1000xi32, #tpu.memory_space<vmem>>)
        tpu.yield
      }) : () -> ()
      "tpu.region"() ({
        %run_scoped3A = tpu.sem_alloc : memref<!tpu.dma_semaphore, #tpu.memory_space<semaphore_mem>>
        %dma_start3A_44 = tpu.memref_slice %arg5[%add3A_11] : memref<320000xi32, #tpu.memory_space<hbm>> -> memref<1000xi32, #tpu.memory_space<hbm>>
        %dma_start3A_45 = tpu.memref_slice %arg5[%add3A_11] : memref<320000xi32, #tpu.memory_space<hbm>> -> memref<1000xi32, #tpu.memory_space<hbm>>
        tpu.enqueue_dma source(%dma_start3A_45 : memref<1000xi32, #tpu.memory_space<hbm>>) target(%arg8 : memref<1000xi32, #tpu.memory_space<vmem>>) target_semaphore(%run_scoped3A : memref<!tpu.dma_semaphore, #tpu.memory_space<semaphore_mem>>)
        %dma_wait3A_46 = tpu.memref_slice %arg5[%add3A_11] : memref<320000xi32, #tpu.memory_space<hbm>> -> memref<1000xi32, #tpu.memory_space<hbm>>
        %dma_wait3A_47 = tpu.memref_slice %arg5[%add3A_11] : memref<320000xi32, #tpu.memory_space<hbm>> -> memref<1000xi32, #tpu.memory_space<hbm>>
        tpu.wait_dma2 semaphore(%run_scoped3A : memref<!tpu.dma_semaphore, #tpu.memory_space<semaphore_mem>>) src(%dma_wait3A_47 : memref<1000xi32, #tpu.memory_space<hbm>>) dst(%arg8 : memref<1000xi32, #tpu.memory_space<vmem>>)
        tpu.yield
      }) : () -> ()
      %dma_start3A = arith.constant 0 : i32
      %dma_start3A_28 = arith.constant 0 : i32
      %dma_start3A_29 = tpu.memref_slice %arg2[%dma_start3A, %dma_start3A_28] : memref<10000x16xf32, #tpu.memory_space<hbm>> -> memref<10000x16xf32, #tpu.memory_space<hbm>>
      tpu.enqueue_indirect_dma source(%dma_start3A_29 : memref<10000x16xf32, #tpu.memory_space<hbm>>) target(%arg9 : memref<1000x16xf32, #tpu.memory_space<vmem>>) offsets(%arg7 : memref<1000xi32, #tpu.memory_space<vmem>>) semaphore(%arg12 : memref<!tpu.dma_semaphore, #tpu.memory_space<semaphore_mem>>)
      %dma_start3A_30 = arith.constant 0 : i32
      %dma_start3A_31 = arith.constant 0 : i32
      %dma_start3A_32 = tpu.memref_slice %arg3[%dma_start3A_30, %dma_start3A_31] : memref<10000x16xf32, #tpu.memory_space<hbm>> -> memref<10000x16xf32, #tpu.memory_space<hbm>>
      tpu.enqueue_indirect_dma source(%dma_start3A_32 : memref<10000x16xf32, #tpu.memory_space<hbm>>) target(%arg10 : memref<1000x16xf32, #tpu.memory_space<vmem>>) offsets(%arg8 : memref<1000xi32, #tpu.memory_space<vmem>>) semaphore(%arg13 : memref<!tpu.dma_semaphore, #tpu.memory_space<semaphore_mem>>)
      %dma_wait3A = arith.constant 0 : i32
      %dma_wait3A_33 = arith.constant 0 : i32
      %dma_wait3A_34 = tpu.memref_slice %arg2[%dma_wait3A, %dma_wait3A_33] : memref<10000x16xf32, #tpu.memory_space<hbm>> -> memref<10000x16xf32, #tpu.memory_space<hbm>>
      tpu.wait_indirect_dma semaphore(%arg12 : memref<!tpu.dma_semaphore, #tpu.memory_space<semaphore_mem>>) src(%dma_wait3A_34 : memref<10000x16xf32, #tpu.memory_space<hbm>>) dst(%arg9 : memref<1000x16xf32, #tpu.memory_space<vmem>>)
      %dma_wait3A_35 = arith.constant 0 : i32
      %dma_wait3A_36 = arith.constant 0 : i32
      %dma_wait3A_37 = tpu.memref_slice %arg3[%dma_wait3A_35, %dma_wait3A_36] : memref<10000x16xf32, #tpu.memory_space<hbm>> -> memref<10000x16xf32, #tpu.memory_space<hbm>>
      tpu.wait_indirect_dma semaphore(%arg13 : memref<!tpu.dma_semaphore, #tpu.memory_space<semaphore_mem>>) src(%dma_wait3A_37 : memref<10000x16xf32, #tpu.memory_space<hbm>>) dst(%arg10 : memref<1000x16xf32, #tpu.memory_space<vmem>>)
      %scan3A_38 = arith.constant 0 : i32
      %scan3A_39 = arith.constant 0 : i32
      %scan3A_40 = arith.constant 125 : i32
      %scan3A_41 = arith.addi %scan3A_39, %scan3A_40 : i32
      %scan3A_42 = arith.constant 1 : i32
      scf.for %scan3A_44 = %scan3A_39 to %scan3A_41 step %scan3A_42  : i32 {
        %mul3A_45 = arith.constant 8 : i32
        %mul3A_46 = arith.muli %scan3A_44, %mul3A_45 : i32
        %add3A_47 = arith.constant 0 : i32
        %add3A_48 = arith.addi %mul3A_46, %add3A_47 : i32
        %get3A = arith.index_cast %add3A_48 : i32 to index
        %get3A_49 = arith.constant 0 : index
        %get3A_50 = tpu.vector_load %arg9[%get3A, %get3A_49] {strides = array<i32>} : memref<1000x16xf32, #tpu.memory_space<vmem>>, vector<1x16xf32>,
        %get3A_51 = vector.shape_cast %get3A_50 : vector<1x16xf32> to vector<16xf32>
        %add3A_52 = arith.constant 0 : i32
        %add3A_53 = arith.addi %mul3A_46, %add3A_52 : i32
        %get3A_54 = arith.index_cast %add3A_53 : i32 to index
        %get3A_55 = arith.constant 0 : index
        %get3A_56 = tpu.vector_load %arg10[%get3A_54, %get3A_55] {strides = array<i32>} : memref<1000x16xf32, #tpu.memory_space<vmem>>, vector<1x16xf32>,
        %get3A_57 = vector.shape_cast %get3A_56 : vector<1x16xf32> to vector<16xf32>
        %add3A_58 = arith.addf %get3A_51, %get3A_57 : vector<16xf32>
        %swap3A = arith.index_cast %scan3A_44 : i32 to index
        %swap3A_59 = arith.constant 0 : index
        %swap3A_60 = tpu.vector_load %arg11[%swap3A, %swap3A_59] {strides = array<i32>} : memref<125x128xf32, #tpu.memory_space<vmem>>, vector<1x16xf32>,
        %swap3A_61 = vector.shape_cast %swap3A_60 : vector<1x16xf32> to vector<16xf32>
        %swap3A_62 = vector.shape_cast %add3A_58 : vector<16xf32> to vector<1x16xf32>
        tpu.vector_store %arg11[%swap3A, %swap3A_59], %swap3A_62 {strides = array<i32>} : memref<125x128xf32, #tpu.memory_space<vmem>>, vector<1x16xf32>,
        %add3A_63 = arith.constant 1 : i32
        %add3A_64 = arith.addi %mul3A_46, %add3A_63 : i32
        %get3A_65 = arith.index_cast %add3A_64 : i32 to index
        %get3A_66 = arith.constant 0 : index
        %get3A_67 = tpu.vector_load %arg9[%get3A_65, %get3A_66] {strides = array<i32>} : memref<1000x16xf32, #tpu.memory_space<vmem>>, vector<1x16xf32>,
        %get3A_68 = vector.shape_cast %get3A_67 : vector<1x16xf32> to vector<16xf32>
        %add3A_69 = arith.constant 1 : i32
        %add3A_70 = arith.addi %mul3A_46, %add3A_69 : i32
        %get3A_71 = arith.index_cast %add3A_70 : i32 to index
        %get3A_72 = arith.constant 0 : index
        %get3A_73 = tpu.vector_load %arg10[%get3A_71, %get3A_72] {strides = array<i32>} : memref<1000x16xf32, #tpu.memory_space<vmem>>, vector<1x16xf32>,
        %get3A_74 = vector.shape_cast %get3A_73 : vector<1x16xf32> to vector<16xf32>
        %add3A_75 = arith.addf %get3A_68, %get3A_74 : vector<16xf32>
        %swap3A_76 = arith.index_cast %scan3A_44 : i32 to index
        %swap3A_77 = arith.constant 16 : index
        %swap3A_78 = tpu.vector_load %arg11[%swap3A_76, %swap3A_77] {strides = array<i32>} : memref<125x128xf32, #tpu.memory_space<vmem>>, vector<1x16xf32>,
        %swap3A_79 = vector.shape_cast %swap3A_78 : vector<1x16xf32> to vector<16xf32>
        %swap3A_80 = vector.shape_cast %add3A_75 : vector<16xf32> to vector<1x16xf32>
        tpu.vector_store %arg11[%swap3A_76, %swap3A_77], %swap3A_80 {strides = array<i32>} : memref<125x128xf32, #tpu.memory_space<vmem>>, vector<1x16xf32>,
        %add3A_81 = arith.constant 2 : i32
        %add3A_82 = arith.addi %mul3A_46, %add3A_81 : i32
        %get3A_83 = arith.index_cast %add3A_82 : i32 to index
        %get3A_84 = arith.constant 0 : index
        %get3A_85 = tpu.vector_load %arg9[%get3A_83, %get3A_84] {strides = array<i32>} : memref<1000x16xf32, #tpu.memory_space<vmem>>, vector<1x16xf32>,
        %get3A_86 = vector.shape_cast %get3A_85 : vector<1x16xf32> to vector<16xf32>
        %add3A_87 = arith.constant 2 : i32
        %add3A_88 = arith.addi %mul3A_46, %add3A_87 : i32
        %get3A_89 = arith.index_cast %add3A_88 : i32 to index
        %get3A_90 = arith.constant 0 : index
        %get3A_91 = tpu.vector_load %arg10[%get3A_89, %get3A_90] {strides = array<i32>} : memref<1000x16xf32, #tpu.memory_space<vmem>>, vector<1x16xf32>,
        %get3A_92 = vector.shape_cast %get3A_91 : vector<1x16xf32> to vector<16xf32>
        %add3A_93 = arith.addf %get3A_86, %get3A_92 : vector<16xf32>
        %swap3A_94 = arith.index_cast %scan3A_44 : i32 to index
        %swap3A_95 = arith.constant 32 : index
        %swap3A_96 = tpu.vector_load %arg11[%swap3A_94, %swap3A_95] {strides = array<i32>} : memref<125x128xf32, #tpu.memory_space<vmem>>, vector<1x16xf32>,
        %swap3A_97 = vector.shape_cast %swap3A_96 : vector<1x16xf32> to vector<16xf32>
        %swap3A_98 = vector.shape_cast %add3A_93 : vector<16xf32> to vector<1x16xf32>
        tpu.vector_store %arg11[%swap3A_94, %swap3A_95], %swap3A_98 {strides = array<i32>} : memref<125x128xf32, #tpu.memory_space<vmem>>, vector<1x16xf32>,
        %add3A_99 = arith.constant 3 : i32
        %add3A_100 = arith.addi %mul3A_46, %add3A_99 : i32
        %get3A_101 = arith.index_cast %add3A_100 : i32 to index
        %get3A_102 = arith.constant 0 : index
        %get3A_103 = tpu.vector_load %arg9[%get3A_101, %get3A_102] {strides = array<i32>} : memref<1000x16xf32, #tpu.memory_space<vmem>>, vector<1x16xf32>,
        %get3A_104 = vector.shape_cast %get3A_103 : vector<1x16xf32> to vector<16xf32>
        %add3A_105 = arith.constant 3 : i32
        %add3A_106 = arith.addi %mul3A_46, %add3A_105 : i32
        %get3A_107 = arith.index_cast %add3A_106 : i32 to index
        %get3A_108 = arith.constant 0 : index
        %get3A_109 = tpu.vector_load %arg10[%get3A_107, %get3A_108] {strides = array<i32>} : memref<1000x16xf32, #tpu.memory_space<vmem>>, vector<1x16xf32>,
        %get3A_110 = vector.shape_cast %get3A_109 : vector<1x16xf32> to vector<16xf32>
        %add3A_111 = arith.addf %get3A_104, %get3A_110 : vector<16xf32>
        %swap3A_112 = arith.index_cast %scan3A_44 : i32 to index
        %swap3A_113 = arith.constant 48 : index
        %swap3A_114 = tpu.vector_load %arg11[%swap3A_112, %swap3A_113] {strides = array<i32>} : memref<125x128xf32, #tpu.memory_space<vmem>>, vector<1x16xf32>,
        %swap3A_115 = vector.shape_cast %swap3A_114 : vector<1x16xf32> to vector<16xf32>
        %swap3A_116 = vector.shape_cast %add3A_111 : vector<16xf32> to vector<1x16xf32>
        tpu.vector_store %arg11[%swap3A_112, %swap3A_113], %swap3A_116 {strides = array<i32>} : memref<125x128xf32, #tpu.memory_space<vmem>>, vector<1x16xf32>,
        %add3A_117 = arith.constant 4 : i32
        %add3A_118 = arith.addi %mul3A_46, %add3A_117 : i32
        %get3A_119 = arith.index_cast %add3A_118 : i32 to index
        %get3A_120 = arith.constant 0 : index
        %get3A_121 = tpu.vector_load %arg9[%get3A_119, %get3A_120] {strides = array<i32>} : memref<1000x16xf32, #tpu.memory_space<vmem>>, vector<1x16xf32>,
        %get3A_122 = vector.shape_cast %get3A_121 : vector<1x16xf32> to vector<16xf32>
        %add3A_123 = arith.constant 4 : i32
        %add3A_124 = arith.addi %mul3A_46, %add3A_123 : i32
        %get3A_125 = arith.index_cast %add3A_124 : i32 to index
        %get3A_126 = arith.constant 0 : index
        %get3A_127 = tpu.vector_load %arg10[%get3A_125, %get3A_126] {strides = array<i32>} : memref<1000x16xf32, #tpu.memory_space<vmem>>, vector<1x16xf32>,
        %get3A_128 = vector.shape_cast %get3A_127 : vector<1x16xf32> to vector<16xf32>
        %add3A_129 = arith.addf %get3A_122, %get3A_128 : vector<16xf32>
        %swap3A_130 = arith.index_cast %scan3A_44 : i32 to index
        %swap3A_131 = arith.constant 64 : index
        %swap3A_132 = tpu.vector_load %arg11[%swap3A_130, %swap3A_131] {strides = array<i32>} : memref<125x128xf32, #tpu.memory_space<vmem>>, vector<1x16xf32>,
        %swap3A_133 = vector.shape_cast %swap3A_132 : vector<1x16xf32> to vector<16xf32>
        %swap3A_134 = vector.shape_cast %add3A_129 : vector<16xf32> to vector<1x16xf32>
        tpu.vector_store %arg11[%swap3A_130, %swap3A_131], %swap3A_134 {strides = array<i32>} : memref<125x128xf32, #tpu.memory_space<vmem>>, vector<1x16xf32>,
        %add3A_135 = arith.constant 5 : i32
        %add3A_136 = arith.addi %mul3A_46, %add3A_135 : i32
        %get3A_137 = arith.index_cast %add3A_136 : i32 to index
        %get3A_138 = arith.constant 0 : index
        %get3A_139 = tpu.vector_load %arg9[%get3A_137, %get3A_138] {strides = array<i32>} : memref<1000x16xf32, #tpu.memory_space<vmem>>, vector<1x16xf32>,
        %get3A_140 = vector.shape_cast %get3A_139 : vector<1x16xf32> to vector<16xf32>
        %add3A_141 = arith.constant 5 : i32
        %add3A_142 = arith.addi %mul3A_46, %add3A_141 : i32
        %get3A_143 = arith.index_cast %add3A_142 : i32 to index
        %get3A_144 = arith.constant 0 : index
        %get3A_145 = tpu.vector_load %arg10[%get3A_143, %get3A_144] {strides = array<i32>} : memref<1000x16xf32, #tpu.memory_space<vmem>>, vector<1x16xf32>,
        %get3A_146 = vector.shape_cast %get3A_145 : vector<1x16xf32> to vector<16xf32>
        %add3A_147 = arith.addf %get3A_140, %get3A_146 : vector<16xf32>
        %swap3A_148 = arith.index_cast %scan3A_44 : i32 to index
        %swap3A_149 = arith.constant 80 : index
        %swap3A_150 = tpu.vector_load %arg11[%swap3A_148, %swap3A_149] {strides = array<i32>} : memref<125x128xf32, #tpu.memory_space<vmem>>, vector<1x16xf32>,
        %swap3A_151 = vector.shape_cast %swap3A_150 : vector<1x16xf32> to vector<16xf32>
        %swap3A_152 = vector.shape_cast %add3A_147 : vector<16xf32> to vector<1x16xf32>
        tpu.vector_store %arg11[%swap3A_148, %swap3A_149], %swap3A_152 {strides = array<i32>} : memref<125x128xf32, #tpu.memory_space<vmem>>, vector<1x16xf32>,
        %add3A_153 = arith.constant 6 : i32
        %add3A_154 = arith.addi %mul3A_46, %add3A_153 : i32
        %get3A_155 = arith.index_cast %add3A_154 : i32 to index
        %get3A_156 = arith.constant 0 : index
        %get3A_157 = tpu.vector_load %arg9[%get3A_155, %get3A_156] {strides = array<i32>} : memref<1000x16xf32, #tpu.memory_space<vmem>>, vector<1x16xf32>,
        %get3A_158 = vector.shape_cast %get3A_157 : vector<1x16xf32> to vector<16xf32>
        %add3A_159 = arith.constant 6 : i32
        %add3A_160 = arith.addi %mul3A_46, %add3A_159 : i32
        %get3A_161 = arith.index_cast %add3A_160 : i32 to index
        %get3A_162 = arith.constant 0 : index
        %get3A_163 = tpu.vector_load %arg10[%get3A_161, %get3A_162] {strides = array<i32>} : memref<1000x16xf32, #tpu.memory_space<vmem>>, vector<1x16xf32>,
        %get3A_164 = vector.shape_cast %get3A_163 : vector<1x16xf32> to vector<16xf32>
        %add3A_165 = arith.addf %get3A_158, %get3A_164 : vector<16xf32>
        %swap3A_166 = arith.index_cast %scan3A_44 : i32 to index
        %swap3A_167 = arith.constant 96 : index
        %swap3A_168 = tpu.vector_load %arg11[%swap3A_166, %swap3A_167] {strides = array<i32>} : memref<125x128xf32, #tpu.memory_space<vmem>>, vector<1x16xf32>,
        %swap3A_169 = vector.shape_cast %swap3A_168 : vector<1x16xf32> to vector<16xf32>
        %swap3A_170 = vector.shape_cast %add3A_165 : vector<16xf32> to vector<1x16xf32>
        tpu.vector_store %arg11[%swap3A_166, %swap3A_167], %swap3A_170 {strides = array<i32>} : memref<125x128xf32, #tpu.memory_space<vmem>>, vector<1x16xf32>,
        %add3A_171 = arith.constant 7 : i32
        %add3A_172 = arith.addi %mul3A_46, %add3A_171 : i32
        %get3A_173 = arith.index_cast %add3A_172 : i32 to index
        %get3A_174 = arith.constant 0 : index
        %get3A_175 = tpu.vector_load %arg9[%get3A_173, %get3A_174] {strides = array<i32>} : memref<1000x16xf32, #tpu.memory_space<vmem>>, vector<1x16xf32>,
        %get3A_176 = vector.shape_cast %get3A_175 : vector<1x16xf32> to vector<16xf32>
        %add3A_177 = arith.constant 7 : i32
        %add3A_178 = arith.addi %mul3A_46, %add3A_177 : i32
        %get3A_179 = arith.index_cast %add3A_178 : i32 to index
        %get3A_180 = arith.constant 0 : index
        %get3A_181 = tpu.vector_load %arg10[%get3A_179, %get3A_180] {strides = array<i32>} : memref<1000x16xf32, #tpu.memory_space<vmem>>, vector<1x16xf32>,
        %get3A_182 = vector.shape_cast %get3A_181 : vector<1x16xf32> to vector<16xf32>
        %add3A_183 = arith.addf %get3A_176, %get3A_182 : vector<16xf32>
        %swap3A_184 = arith.index_cast %scan3A_44 : i32 to index
        %swap3A_185 = arith.constant 112 : index
        %swap3A_186 = tpu.vector_load %arg11[%swap3A_184, %swap3A_185] {strides = array<i32>} : memref<125x128xf32, #tpu.memory_space<vmem>>, vector<1x16xf32>,
        %swap3A_187 = vector.shape_cast %swap3A_186 : vector<1x16xf32> to vector<16xf32>
        %swap3A_188 = vector.shape_cast %add3A_183 : vector<16xf32> to vector<1x16xf32>
        tpu.vector_store %arg11[%swap3A_184, %swap3A_185], %swap3A_188 {strides = array<i32>} : memref<125x128xf32, #tpu.memory_space<vmem>>, vector<1x16xf32>,
      }
      %scan3A_43 = arith.constant 125 : i32
      "tpu.region"() ({
        %run_scoped3A = tpu.sem_alloc : memref<!tpu.dma_semaphore, #tpu.memory_space<semaphore_mem>>
        %dma_start3A_44 = arith.constant 0 : i32
        %dma_start3A_45 = tpu.memref_slice %arg6[%select_n3A, %dma_start3A_44] : memref<40000x128xf32, #tpu.memory_space<hbm>> -> memref<125x128xf32, #tpu.memory_space<hbm>>
        %dma_start3A_46 = arith.constant 0 : i32
        %dma_start3A_47 = tpu.memref_slice %arg6[%select_n3A, %dma_start3A_46] : memref<40000x128xf32, #tpu.memory_space<hbm>> -> memref<125x128xf32, #tpu.memory_space<hbm>>
        tpu.enqueue_dma source(%arg11 : memref<125x128xf32, #tpu.memory_space<vmem>>) target(%dma_start3A_47 : memref<125x128xf32, #tpu.memory_space<hbm>>) target_semaphore(%run_scoped3A : memref<!tpu.dma_semaphore, #tpu.memory_space<semaphore_mem>>)
        %dma_wait3A_48 = arith.constant 0 : i32
        %dma_wait3A_49 = tpu.memref_slice %arg6[%select_n3A, %dma_wait3A_48] : memref<40000x128xf32, #tpu.memory_space<hbm>> -> memref<125x128xf32, #tpu.memory_space<hbm>>
        %dma_wait3A_50 = arith.constant 0 : i32
        %dma_wait3A_51 = tpu.memref_slice %arg6[%select_n3A, %dma_wait3A_50] : memref<40000x128xf32, #tpu.memory_space<hbm>> -> memref<125x128xf32, #tpu.memory_space<hbm>>
        tpu.wait_dma2 semaphore(%run_scoped3A : memref<!tpu.dma_semaphore, #tpu.memory_space<semaphore_mem>>) src(%arg11 : memref<125x128xf32, #tpu.memory_space<vmem>>) dst(%dma_wait3A_51 : memref<125x128xf32, #tpu.memory_space<hbm>>)
        tpu.yield
      }) : () -> ()
    }
    %scan3A_7 = arith.constant 10 : i32
    return
  }
}

module attributes {stable_mosaic.version = 14 : i64} {
  func.func @_proj_body(%arg0: memref<10000x128xf32, #tpu.memory_space<vmem>>, %arg1: memref<128x32xf32, #tpu.memory_space<vmem>>, %arg2: memref<10000x16xf32, #tpu.memory_space<vmem>>, %arg3: memref<10000x16xf32, #tpu.memory_space<vmem>>) attributes {dimension_semantics = [], scalar_prefetch = 0 : i64, scratch_operands = 0 : i64, tpu.core_type = #tpu.core_type<tc>} {
    %get3A = arith.constant 0 : index
    %get3A_0 = arith.constant 0 : index
    %get3A_1 = vector.load %arg0[%get3A, %get3A_0] : memref<10000x128xf32, #tpu.memory_space<vmem>>, vector<10000x128xf32>
    %get3A_2 = arith.constant 0 : index
    %get3A_3 = arith.constant 0 : index
    %get3A_4 = vector.load %arg1[%get3A_2, %get3A_3] : memref<128x32xf32, #tpu.memory_space<vmem>>, vector<128x32xf32>
    %dot_general3A = arith.constant dense<0.000000e+00> : vector<10000x32xf32>
    %dot_general3A_5 = tpu.matmul %get3A_1, %get3A_4, %dot_general3A {dimension_numbers = #tpu.dot_dimension_numbers<[1], [0], [0], [1], [0, 0, 1, 1], [], []>, transpose_lhs_hint = false} : vector<10000x128xf32>, vector<128x32xf32>, vector<10000x32xf32> -> vector<10000x32xf32>
    %slice3A = vector.extract_strided_slice %dot_general3A_5 {offsets = [0, 0], sizes = [10000, 16], strides = [1, 1]} : vector<10000x32xf32> to vector<10000x16xf32>
    %swap3A = arith.constant 0 : index
    %swap3A_6 = arith.constant 0 : index
    %swap3A_7 = vector.load %arg2[%swap3A, %swap3A_6] : memref<10000x16xf32, #tpu.memory_space<vmem>>, vector<10000x16xf32>
    tpu.vector_store %arg2[%swap3A, %swap3A_6], %slice3A {strides = array<i32>} : memref<10000x16xf32, #tpu.memory_space<vmem>>, vector<10000x16xf32>,
    %slice3A_8 = vector.extract_strided_slice %dot_general3A_5 {offsets = [0, 16], sizes = [10000, 16], strides = [1, 1]} : vector<10000x32xf32> to vector<10000x16xf32>
    %swap3A_9 = arith.constant 0 : index
    %swap3A_10 = arith.constant 0 : index
    %swap3A_11 = vector.load %arg3[%swap3A_9, %swap3A_10] : memref<10000x16xf32, #tpu.memory_space<vmem>>, vector<10000x16xf32>
    tpu.vector_store %arg3[%swap3A_9, %swap3A_10], %slice3A_8 {strides = array<i32>} : memref<10000x16xf32, #tpu.memory_space<vmem>>, vector<10000x16xf32>,
    return
  }
}

module attributes {stable_mosaic.version = 14 : i64} {
  func.func @_edge_body(%arg0: i32, %arg1: memref<5000x128xf32, #tpu.memory_space<vmem>>, %arg2: memref<5000x128xf32, #tpu.memory_space<vmem>>, %arg3: memref<128x128xf32, #tpu.memory_space<vmem>>, %arg4: memref<1x128xf32, #tpu.memory_space<vmem>>, %arg5: memref<5000x128xf32, #tpu.memory_space<vmem>>) attributes {dimension_semantics = [#tpu.dimension_semantics<arbitrary>], iteration_bounds = array<i64: 8>, scalar_prefetch = 0 : i64, scratch_operands = 0 : i64, tpu.core_type = #tpu.core_type<tc>, window_params = [{transform_indices = @transform_0, window_bounds = array<i64: 5000, 128>}, {transform_indices = @transform_1, window_bounds = array<i64: 5000, 128>}, {pipeline_mode = #tpu.pipeline_mode<synchronous>, transform_indices = @transform_2, window_bounds = array<i64: 128, 128>}, {pipeline_mode = #tpu.pipeline_mode<synchronous>, transform_indices = @transform_3, window_bounds = array<i64: 1, 128>}, {transform_indices = @transform_4, window_bounds = array<i64: 5000, 128>}]} {
    %get3A = arith.constant 0 : index
    %get3A_0 = arith.constant 0 : index
    %get3A_1 = vector.load %arg1[%get3A, %get3A_0] : memref<5000x128xf32, #tpu.memory_space<vmem>>, vector<5000x128xf32>
    %get3A_2 = arith.constant 0 : index
    %get3A_3 = arith.constant 0 : index
    %get3A_4 = vector.load %arg3[%get3A_2, %get3A_3] : memref<128x128xf32, #tpu.memory_space<vmem>>, vector<128x128xf32>
    %dot_general3A = arith.constant dense<0.000000e+00> : vector<5000x128xf32>
    %dot_general3A_5 = tpu.matmul %get3A_1, %get3A_4, %dot_general3A {dimension_numbers = #tpu.dot_dimension_numbers<[1], [0], [0], [1], [0, 0, 1, 1], [], []>, transpose_lhs_hint = false} : vector<5000x128xf32>, vector<128x128xf32>, vector<5000x128xf32> -> vector<5000x128xf32>
    %get3A_6 = arith.constant 0 : index
    %get3A_7 = arith.constant 0 : index
    %get3A_8 = vector.load %arg4[%get3A_6, %get3A_7] : memref<1x128xf32, #tpu.memory_space<vmem>>, vector<1x128xf32>
    %add3A = vector.broadcast %get3A_8 : vector<1x128xf32> to vector<5000x128xf32>
    %add3A_9 = arith.addf %dot_general3A_5, %add3A : vector<5000x128xf32>
    %get3A_10 = arith.constant 0 : index
    %get3A_11 = arith.constant 0 : index
    %get3A_12 = vector.load %arg2[%get3A_10, %get3A_11] : memref<5000x128xf32, #tpu.memory_space<vmem>>, vector<5000x128xf32>
    %add3A_13 = arith.addf %add3A_9, %get3A_12 : vector<5000x128xf32>
    %swap3A = arith.constant 0 : index
    %swap3A_14 = arith.constant 0 : index
    %swap3A_15 = vector.load %arg5[%swap3A, %swap3A_14] : memref<5000x128xf32, #tpu.memory_space<vmem>>, vector<5000x128xf32>
    tpu.vector_store %arg5[%swap3A, %swap3A_14], %add3A_13 {strides = array<i32>} : memref<5000x128xf32, #tpu.memory_space<vmem>>, vector<5000x128xf32>,
    return
  }
  func.func @transform_0(%arg0: i32) -> (i32, i32) {
    %c0_i32 = arith.constant 0 : i32
    %c0_i32_0 = arith.constant 0 : i32
    return %arg0, %c0_i32 : i32, i32
  }
  func.func @transform_1(%arg0: i32) -> (i32, i32) {
    %c0_i32 = arith.constant 0 : i32
    %c0_i32_0 = arith.constant 0 : i32
    return %arg0, %c0_i32 : i32, i32
  }
  func.func @transform_2(%arg0: i32) -> (i32, i32) {
    %c0_i32 = arith.constant 0 : i32
    %c0_i32_0 = arith.constant 0 : i32
    %c0_i32_1 = arith.constant 0 : i32
    return %c0_i32, %c0_i32_0 : i32, i32
  }
  func.func @transform_3(%arg0: i32) -> (i32, i32) {
    %c0_i32 = arith.constant 0 : i32
    %c0_i32_0 = arith.constant 0 : i32
    %c0_i32_1 = arith.constant 0 : i32
    return %c0_i32, %c0_i32_0 : i32, i32
  }
  func.func @transform_4(%arg0: i32) -> (i32, i32) {
    %c0_i32 = arith.constant 0 : i32
    %c0_i32_0 = arith.constant 0 : i32
    return %arg0, %c0_i32 : i32, i32
  }
}

</mosaic_0001>

<sc_bundles>
// kernel: kernel.5.cloned.1.call-start
scs
__scs_entry_jumppad:
0x0: {  	(pc) =	sbr.rel $0x88, $3  }
0x1: {  	(tag) =	ssettag $0x0;
	lr =	simm.s32 $0x1  }
0x2: {  	[smem:$0x3F9C] =	sst lr;
	_ =	strace $0xD0000000  }
0x3: {  	_ = 	snop  }
0x4: {  	_ = 	snop  }
0x5: {  	_ = 	snop  }
0x6: {  	_ = 	snop  }
0x7: {  	_ = 	snop  }
__scs_overlays_trampoline_lowered:
0x8: {  	[smem:$0x3FAB] =	sst s0  }
0x9: {  	[smem:$0x3FAC] =	sst s1  }
0xa: {  	[smem:$0x3FAD] =	sst s2  }
0xb: {  	[smem:$0x3FAE] =	sst s3  }
0xc: {  	[smem:$0x3FAF] =	sst s4  }
0xd: {  	[smem:$0x3FB0] =	sst s5  }
0xe: {  	[smem:$0x3FB1] =	sst s6  }
0xf: {  	[smem:$0x3FB2] =	sst s7  }
0x10: {  	[smem:$0x3FB3] =	sst s8  }
0x11: {  	[smem:$0x3FB4] =	sst s9;
	s0 =	simm.s32 @!p0 $0x0  }
0x12: {  	s1 =	sld [smem:$0x3F9A];
	s0 =	simm.s32 @p0 $0x1  }
0x13: {  	[smem:$0x3FB5] =	sst s0;
	s0 =	simm.s32 @!p1 $0x0  }
0x14: {  	s2 =	sld [smem:$0x3F99];
	s0 =	simm.s32 @p1 $0x1  }
0x15: {  	[smem:$0x3FB6] =	sst s0;
	s0 =	simm.s32 @!p2 $0x0  }
0x16: {  	s3 =	sld [smem:$0x3FDB];
	s0 =	simm.s32 @p2 $0x1  }
0x17: {  	s4 =	simm.s32 $0x1BF5;
	[smem:$0x3FB8] =	sst s0  }
0x18: {  	s0 =	sld [smem:$0x3F9B];
	_ =	swait.ge [sflag:s4], $0x0  }
0x19: {  	s7 =	sld [smem:$0x3F9C]  }
0x1a: {  	s8 =	sadd.s32 $0xFFFFE003, lr  }
0x1b: {  	s9 =	sadd.s32 $0xFFFFFEF7, lr;
	s5 =	simm.s32 $0xFFFFFFFF;
	p2 =	slt.u32 s8, $0xFFFFF086  }
0x1c: {  	p1 =	slt.u32 s9, $0xF7A;
	s5 =	simm.s32 @!p2 $0x0  }
0x1d: {  	s5 =	simm.s32 @p1 $0x1;
	p0 =	seq.s32 s7, s2  }
0x1e: {  	s7 =	smul.u32 @!p0 $0xF7A, s2;
	p2 =	seq.s32 @!p0 s5, $0x0  }
0x1f: {  	s9 =	smul.u32 $0xF7A, s1;
	s8 =	simm.s32 @!p0 $0x1BF5;
	p2 =	por !p2, p0  }
0x20: {  	[sflag:s8] =	ssyncset.s32 @!p0 $0xFFFFF086;
	s6 =	sadd.s32 @!p0 s3, s7;
	s7 =	simm.s32 @!p0 $0x108  }
0x21: {  	s3 =	sadd.s32 s3, s9;
	s6 =	sadd.s32 @!p0 $0x88, s6;
	s7 =	simm.s32 @p2 $0x1082  }
0x22: {  	[simem:s7], [sflag:s8] =	dma.local @!p0 [hbm:s6], $0xF7A  }
0x23: {  	s9 =	sor.u32 $0xD0000000, s2;
	s6 =	simm.s32 $0x108;
	_ =	swait.ge @!p0 [sflag:s8], $0x0  }
0x24: {  	s3 =	sadd.s32 $0x88, s3;
	s6 =	simm.s32 @!p1 $0x1082;
	[sflag:s4] =	ssyncset.s32 $0xFFFFF086  }
0x25: {  	[simem:s6], [sflag:s4] =	dma.local [hbm:s3], $0xF7A  }
0x26: {  	[smem:$0x3F9C] =	sst s1;
	(tag) =	ssettag s2;
	_ =	strace s9  }
0x27: {  	s1 =	sld [smem:$0x3FAC]  }
0x28: {  	s2 =	sld [smem:$0x3FAD]  }
0x29: {  	s4 =	sld [smem:$0x3FAF]  }
0x2a: {  	p0 =	seq.s32 s5, $0x0;
	s5 =	sld [smem:$0x3FB0]  }
0x2b: {  	s6 =	sld [smem:$0x3FB1]  }
0x2c: {  	s7 =	sld [smem:$0x3FB2]  }
0x2d: {  	s3 =	simm.s32 $0x108;
	s8 =	sld [smem:$0x3FB3]  }
0x2e: {  	s3 =	simm.s32 @!p0 $0x1082;
	s9 =	sld [smem:$0x3FB4]  }
0x2f: {  	lr =	sadd.s32 s0, s3;
	s0 =	sld [smem:$0x3FAB]  }
0x30: {  	s3 =	sld [smem:$0x3FAE]  }
0x31: {  	[smem:$0x3FB7] =	sst s10  }
0x32: {  	s10 =	sld [smem:$0x3FB5];
	_ =	sdelay $0x3  }
0x33: {  	p0 =	seq.s32 s10, $0x1;
	s10 =	sld [smem:$0x3FB7];
	_ =	sdelay $0x3  }
0x34: {  	[smem:$0x3FB7] =	sst s10  }
0x35: {  	s10 =	sld [smem:$0x3FB6];
	_ =	sdelay $0x3  }
0x36: {  	p1 =	seq.s32 s10, $0x1;
	s10 =	sld [smem:$0x3FB7];
	_ =	sdelay $0x3  }
0x37: {  	[smem:$0x3FB7] =	sst s10  }
0x38: {  	s10 =	sld [smem:$0x3FB8]  }
0x39: {  	_ = 	snop;
	(pc) =	sbr.ind lr, $3  }
0x3a: {  	_ = 	snop  }
0x3b: {  	_ = 	snop  }
0x3c: {  	p2 =	seq.s32 s10, $0x1;
	s10 =	sld [smem:$0x3FB7]  }
0x3d: {  	_ =	shalt  }
0x3e: {  	_ =	shalt  }
0x3f: {  	_ =	shalt  }
0x40: {  	_ =	shalt  }
0x41: {  	_ =	shalt  }
0x42: {  	_ =	shalt  }
0x43: {  	_ =	shalt  }
0x44: {  	_ =	shalt  }
0x45: {  	_ =	shalt  }
0x46: {  	_ =	shalt  }
0x47: {  	_ =	shalt  }
0x48: {  	_ =	shalt  }
0x49: {  	_ =	shalt  }
0x4a: {  	_ =	shalt  }
0x4b: {  	_ =	shalt  }
0x4c: {  	_ =	shalt  }
0x4d: {  	_ =	shalt  }
0x4e: {  	_ =	shalt  }
0x4f: {  	_ =	shalt  }
0x50: {  	_ =	shalt  }
0x51: {  	_ =	shalt  }
0x52: {  	_ =	shalt  }
0x53: {  	_ =	shalt  }
0x54: {  	_ =	shalt  }
0x55: {  	_ =	shalt  }
0x56: {  	_ =	shalt  }
0x57: {  	_ =	shalt  }
0x58: {  	_ =	shalt  }
0x59: {  	_ =	shalt  }
0x5a: {  	_ =	shalt  }
0x5b: {  	_ =	shalt  }
0x5c: {  	_ =	shalt  }
0x5d: {  	_ =	shalt  }
0x5e: {  	_ =	shalt  }
0x5f: {  	_ =	shalt  }
0x60: {  	_ =	shalt  }
0x61: {  	_ =	shalt  }
0x62: {  	_ =	shalt  }
0x63: {  	_ =	shalt  }
0x64: {  	_ =	shalt  }
0x65: {  	_ =	shalt  }
0x66: {  	_ =	shalt  }
0x67: {  	_ =	shalt  }
0x68: {  	_ =	shalt  }
0x69: {  	_ =	shalt  }
0x6a: {  	_ =	shalt  }
0x6b: {  	_ =	shalt  }
0x6c: {  	_ =	shalt  }
0x6d: {  	_ =	shalt  }
0x6e: {  	_ =	shalt  }
0x6f: {  	_ =	shalt  }
0x70: {  	_ =	shalt  }
0x71: {  	_ =	shalt  }
0x72: {  	_ =	shalt  }
0x73: {  	_ =	shalt  }
0x74: {  	_ =	shalt  }
0x75: {  	_ =	shalt  }
0x76: {  	_ =	shalt  }
0x77: {  	_ =	shalt  }
0x78: {  	_ =	shalt  }
0x79: {  	_ =	shalt  }
0x7a: {  	_ =	shalt  }
0x7b: {  	_ =	shalt  }
0x7c: {  	_ =	shalt  }
0x7d: {  	_ =	shalt  }
0x7e: {  	_ =	shalt  }
0x7f: {  	_ =	shalt  }
0x80: {  	_ =	shalt  }
0x81: {  	_ =	shalt  }
0x82: {  	_ =	shalt  }
0x83: {  	_ =	shalt  }
0x84: {  	_ =	shalt  }
0x85: {  	_ =	shalt  }
0x86: {  	_ =	shalt  }
0x87: {  	_ =	shalt  }
.Lfunc_end0:
.L_simem_size_0:
called_computation_lowered:
.L_overlay_start_0:
0x88: {  	s2 =	sld [smem:$0x3FD9]  }
0x89: {  	s3 =	sld [smem:$0x3FFE];
	_ =	sdelay $0x1  }
0x8a: {  	s1 =	srdreg.scid  }
0x8b: {  	s0 =	sand.u32 $0x1, s1  }
0x8c: {  	s16 =	sshll.u32 s0, $0xA;
	s2 =	sadd.s32 s3, s2  }
0x8d: {  	s2 =	sadd.s32 s2, s16  }
0x8e: {  	[smem:$0x3FC3] =	sst s2  }
0x8f: {  	_ = 	snop  }
0x90: {  	(tm) =	ssettm $0x1  }
0x91: {  	s17 =	sld [smem:$0x3FFB];
	_ =	sdelay $0x3  }
0x92: {  	_ =	strace s17  }
0x93: {  	s2 =	sld [smem:$0x3FFC];
	_ =	sdelay $0x3  }
0x94: {  	_ =	strace s2  }
0x95: {  	s2 =	sld [smem:$0x3FFD];
	_ =	sdelay $0x3  }
0x96: {  	_ =	strace s2  }
0x97: {  	_ =	strace $0x8FFFFFFF  }
0x98: {  	s18 =	sld [smem:$0x3FDB];
	_ =	sdelay $0x1  }
0x99: {  	s19 =	simm.s32 $_scs_section_size  }
0x9a: {  	s4 =	simm.s32 $_size__tile_overlayer_lowered;
	s5 =	simm.s32 $_tile_overlayer_lowered  }
0x9b: {  	s22 =	simm.s32 $0x1BFF;
	s21 =	sshll.u32 s5, $0x1;
	s2 =	sadd.s32 s19, s18  }
0x9c: {  	s6 =	simm.s32 $0x0;
	s20 =	sshll.u32 s4, $0x1;
	s4 =	sadd.s32 s21, s2  }
0x9d: {  	[timem:s6], [sflag:s22] =	dma.local [hbm:s4], s20  }
0x9e: {  	_ =	swait.ge [sflag:s22], s20  }
0x9f: {  	s3 =	ssub.s32 $0x0, s20;
	[sflag:s22] =	ssyncset.done $0x0  }
0xa0: {  	[sflag:s22] =	ssyncadd.s32 s3;
	_ =	sdelay $0x1  }
0xa1: {  	s23 =	simm.s32 $0x1B8B  }
0xa2: {  	_ =	swait.ge [sflag:s23], $0x1  }
0xa3: {  	[sflag:s23] =	ssyncset.done $0x0  }
0xa4: {  	s25 =	simm.s32 $0x1B8E;
	s24 =	sld [smem:$0x3FFE];
	[sflag:s23] =	ssyncadd.s32 $0xFFFFFFFF  }
0xa5: {  	s26 =	simm.s32 $execute0_lowered;
	[smem:$0x3FD2] =	sst s25  }
0xa6: {  	s4 =	sshll.u32 s26, $0x1;
	_ =	strace $0x80000046;
	[dreg:$0x1] =	wrdreg $0xFFFFFFFF  }
0xa7: {  	s28 =	simm.s32 $_size_execute0_lowered;
	s2 =	sadd.s32 s2, s4;
	[dreg:$0x0] =	wrdreg $0x0  }
0xa8: {  	s4 =	sshll.u32 s28, $0x1;
	[dreg:$0x2] =	wrdreg s2  }
0xa9: {  	[dreg:$0x3] =	wrdreg s4  }
0xaa: {  	[dreg:$0x4] =	wrdreg $0xC0  }
0xab: {  	_ =	task [dreg:s6], $0x5FFFF  }
0xac: {  	[dreg:$0x1] =	wrdreg $0xFFFFFFFF  }
0xad: {  	[dreg:$0x0] =	wrdreg $0x60  }
0xae: {  	[dreg:$0x2] =	wrdreg s24  }
0xaf: {  	[dreg:$0x3] =	wrdreg $0x9  }
0xb0: {  	_ =	task.clear_ibuf [dreg:s6], $0x4FFFF;
	_ =	strace $0x90000046  }
0xb1: {  	s29 =	simm.s32 $0x9;
	_ =	strace $0x80000048  }
0xb2: {  	_ =	swait.ge [sflag:s29], $0x1  }
0xb3: {  	[sflag:s29] =	ssyncadd.s32 $0xFFFFFFFF  }
0xb4: {  	_ =	strace $0x90000048  }
0xb5: {  	_ =	sfence  }
0xb6: {  	s30 =	sld [smem:$0x0];
	_ =	sdelay $0x2  }
0xb7: {  	s31 =	sshll.u32 s1, $0xD;
	s1 =	sshrl.u32 s1, $0x2  }
0xb8: {  	s3 =	sand.u32 $0x4000, s31;
	s1 =	sadd.s32 s1, s30  }
0xb9: {  	s0 =	sor.u32 s3, s0;
	s1 =	sshll.u32 s1, $0x11  }
0xba: {  	s0 =	sor.u32 s1, s0  }
0xbb: {  	s0 =	sadd.s32 $0x8F2B, s0  }
0xbc: {  	[sflag:s0] =	ssyncadd.remote.s32 $0x1  }
0xbd: {  	_ =	sfence.sel $0xFFFF  }
0xbe: {  	[dreg:$0x0] =	wrdreg $0xFFFFFFFF;
	(pc) =	sbr.abs _section_cstart, $3  }
0xbf: {  	[dreg:$0x1] =	wrdreg $0xFFFFFFFF  }
0xc0: {  	_ =	task.clear_ibuf [dreg:s6], $0x2FFFF;
	_ =	strace $0x9FFFFFFF  }
0xc1: {  	(tm) =	ssettm $0x7FFFFFFF  }
tec
execute0_lowered:
.L_overlay_start_1:
0x0: {  	(tag) =	ssettag $0x1  }
0x1: {  	s7 =	rddreg [dreg:$0x0]  }
0x2: {  	s0 =	rddreg [dreg:$0x1];
	s1 =	simm.s32 $0x0;
	s5 =	srdreg.scid  }
0x3: {  	s2 =	stileid.u32;
	s12 =	simm.s32 $0x7D0;
	s13 =	simm.s32 $0x4650  }
0x4: {  	s14 =	simm.s32 $0x1;
	s15 =	simm.s32 $0x2;
	s16 =	simm.s32 $0x84D0  }
0x5: {  	s17 =	simm.s32 $0x0;
	[smem:$0x7FF] =	sst s1;
	s3 =	sadd.s32 $0x1E00, s7  }
0x6: {  	s4 =	sadd.s32 $0x6E00, s7;
	s8 =	sand.u32 $0x1, s5;
	s5 =	sadd.s32 $0x15C00, s7  }
0x7: {  	s10 =	sshll.u32 s2, $0x1;
	s6 =	sadd.s32 $0xBE00, s7;
	s9 =	ssub.s32 $0x2, s8  }
0x8: {  	s7 =	sadd.s32 $0x1FA00, s7;
	_ =	strace $0x80000047;
	s11 =	sshrl.u32 s9, $0x1  }
0x9: {  	s8 =	sor.u32 s8, s10;
	s10 =	simm.s32 $0x3;
	s9 =	ssub.s32 s9, s11  }
0xa: {  	s8 =	smul.u32 $0x2710, s8;
	s11 =	simm.s32 $0x3E8;
	s9 =	smax.u32 s9, $0x1  }
.LBB2_1:
0xb: {  	s18 =	simm.s32 $0x0  }
.LBB2_2:
0xc: {  	s19 =	smul.u32 $0x3E8, s18;
	_ =	sdelay $0x1  }
0xd: {  	s19 =	sadd.s32 s8, s19  }
0xe: {  	s20 =	sshrl.u32 s19, $0x3  }
0xf: {  	s22 =	simm.s32 $0x0;
	s21 =	sadd.s32 s5, s20  }
0x10: {  	[tilespmem:s22], [sflag:$0x3] =	stream.linear.gather [hbm4b:s21+s22], $0x3E8, $0x38;
	[tilespmem:$0xC350] =	vst v63  }
0x11: {  	_ =	swait.ge [sflag:s10], $0x3E8  }
0x12: {  	[sflag:s10] =	ssyncset.done $0x0  }
0x13: {  	s20 =	sadd.s32 s6, s20;
	[sflag:s10] =	ssyncadd.s32 $0xFFFFFC18  }
0x14: {  	[tilespmem:s11], [sflag:$0x3] =	stream.linear.gather [hbm4b:s20+s22], $0x3E8, $0x38;
	[tilespmem:$0xC350] =	vst v63  }
0x15: {  	_ =	swait.ge [sflag:s10], $0x3E8  }
0x16: {  	[sflag:s10] =	ssyncset.done $0x0  }
0x17: {  	[sflag:s10] =	ssyncadd.s32 $0xFFFFFC18  }
0x18: {  	[tilespmem:s12], [sflag:$0x1] =	stream.indirect.gather [hbm4b:s3+s11], $0x10, s22, s11, $0xb8;
	[tilespmem:$0xC350] =	vst v63  }
0x19: {  	_ = 	snop  }
0x1a: {  	[tilespmem:s13], [sflag:$0x2] =	stream.indirect.gather [hbm4b:s4+s11], $0x10, s11, s11, $0xb8;
	[tilespmem:$0xC350] =	vst v63  }
0x1b: {  	_ =	swait.ge [sflag:s14], $0x3E80  }
0x1c: {  	[sflag:s14] =	ssyncset.done $0x0  }
0x1d: {  	[sflag:s14] =	ssyncadd.s32 $0xFFFFC180  }
0x1e: {  	_ =	swait.ge [sflag:s15], $0x3E80  }
0x1f: {  	[sflag:s15] =	ssyncset.done $0x0  }
0x20: {  	s20 =	simm.s32 $0x0;
	[sflag:s15] =	ssyncadd.s32 $0xFFFFC180  }
0x21: {  	v0 =	vld [tilespmem:s20+$0x840]  }
0x22: {  	v1 =	vld [tilespmem:s20+$0x46C0]  }
0x23: {  	v2 =	vld [tilespmem:s20+$0x7D0]  }
0x24: {  	v3 =	vld [tilespmem:s20+$0x4650]  }
0x25: {  	v4 =	vld [tilespmem:s20+$0x7E0]  }
0x26: {  	v5 =	vld [tilespmem:s20+$0x4660]  }
0x27: {  	v6 =	vld [tilespmem:s20+$0x7F0]  }
0x28: {  	v7 =	vld [tilespmem:s20+$0x800]  }
0x29: {  	v0 =	vadd.f32 v1, v0;
	v1 =	vld [tilespmem:s20+$0x4670]  }
0x2a: {  	v8 =	vld [tilespmem:s20+$0x4680]  }
0x2b: {  	v9 =	vld [tilespmem:s20+$0x4690];
	v2 =	vadd.f32 v3, v2  }
0x2c: {  	[tilespmem:s20+$0x8540] =	vst v0;
	v0 =	vadd.f32 v5, v4;
	v5 =	vld [tilespmem:s20+$0x810]  }
0x2d: {  	v3 =	vld [tilespmem:s20+$0x46A0];
	[tilespmem:s20+$0x84D0] =	vst v2  }
0x2e: {  	v2 =	vld [tilespmem:s20+$0x820];
	[tilespmem:s20+$0x84E0] =	vst v0;
	v0 =	vadd.f32 v1, v6  }
0x2f: {  	v4 =	vld [tilespmem:s20+$0x46B0];
	v6 =	vadd.f32 v8, v7  }
0x30: {  	s21 =	simm.s32 $0x80;
	[tilespmem:s20+$0x84F0] =	vst v0;
	v0 =	vld [tilespmem:s20+$0x830]  }
0x31: {  	s22 =	simm.s32 $0x400;
	v5 =	vadd.f32 v9, v5;
	v1 =	vld [tilespmem:s21+$0x840];
	[tilespmem:s20+$0x8500] =	vst v6  }
.LBB2_3:
0x32: {  	p0 =	sne.s32 s22, $0xF800;
	v6 =	vld [tilespmem:s21+$0x46C0]  }
0x33: {  	v7 =	vld [tilespmem:s21+$0x7D0];
	[tilespmem:s20+$0x8510] =	vst v5;
	v2 =	vadd.f32 v3, v2  }
0x34: {  	v3 =	vld [tilespmem:s21+$0x4650]  }
0x35: {  	v5 =	vld [tilespmem:s21+$0x7E0];
	[tilespmem:s20+$0x8520] =	vst v2;
	v0 =	vadd.f32 v4, v0  }
0x36: {  	v2 =	vld [tilespmem:s21+$0x4660]  }
0x37: {  	v4 =	vld [tilespmem:s21+$0x7F0];
	v1 =	vadd.f32 v6, v1;
	[tilespmem:s20+$0x8530] =	vst v0;
	s20 =	smov.u32 s21  }
0x38: {  	v0 =	vld [tilespmem:s20+$0x4670]  }
0x39: {  	v3 =	vadd.f32 v3, v7;
	v6 =	vld [tilespmem:s20+$0x800];
	[tilespmem:s20+$0x8540] =	vst v1  }
0x3a: {  	v1 =	vld [tilespmem:s20+$0x4680]  }
0x3b: {  	[tilespmem:s20+$0x84D0] =	vst v3;
	v2 =	vadd.f32 v2, v5;
	v5 =	vld [tilespmem:s20+$0x810]  }
0x3c: {  	v7 =	vld [tilespmem:s20+$0x4690]  }
.Ltmp0:
0x3d: {  	[tilespmem:s20+$0x84E0] =	vst v2;
	v0 =	vadd.f32 v0, v4;
	v2 =	vld [tilespmem:s20+$0x820];
	(pc) =	sbr.rel @p0 .LBB2_3-.Ltmp0, $4  }
0x3e: {  	v3 =	vld [tilespmem:s20+$0x46A0]  }
0x3f: {  	[tilespmem:s20+$0x84F0] =	vst v0;
	v6 =	vadd.f32 v1, v6;
	v0 =	vld [tilespmem:s20+$0x830]  }
0x40: {  	s21 =	sshra.s32 s22, $0x2;
	v4 =	vld [tilespmem:s20+$0x46B0]  }
0x41: {  	s22 =	sadd.s32 $0x200, s22;
	v1 =	vld [tilespmem:s21+$0x840];
	[tilespmem:s20+$0x8500] =	vst v6;
	v5 =	vadd.f32 v7, v5  }
0x42: {  	v6 =	vld [tilespmem:s21+$0x46C0]  }
0x43: {  	v7 =	vld [tilespmem:s21+$0x7D0];
	[tilespmem:s20+$0x8510] =	vst v5;
	v2 =	vadd.f32 v3, v2  }
0x44: {  	v51 =	vld [tilespmem:s21+$0x4650]  }
0x45: {  	v5 =	vld [tilespmem:s21+$0x7E0];
	[tilespmem:s20+$0x8520] =	vst v2;
	v0 =	vadd.f32 v4, v0  }
0x46: {  	v2 =	vld [tilespmem:s21+$0x4660]  }
0x47: {  	v52 =	vld [tilespmem:s21+$0x7F0];
	[tilespmem:s20+$0x8530] =	vst v0  }
0x48: {  	v54 =	vld [tilespmem:s21+$0x4670]  }
0x49: {  	v55 =	vld [tilespmem:s21+$0x800]  }
0x4a: {  	v56 =	vld [tilespmem:s21+$0x4680]  }
0x4b: {  	v57 =	vld [tilespmem:s21+$0x810]  }
0x4c: {  	v58 =	vld [tilespmem:s21+$0x4690]  }
0x4d: {  	v59 =	vld [tilespmem:s21+$0x820]  }
0x4e: {  	v53 =	vadd.f32 v6, v1;
	v60 =	vld [tilespmem:s21+$0x46A0]  }
0x4f: {  	v61 =	vld [tilespmem:s21+$0x830];
	v3 =	vadd.f32 v51, v7  }
0x50: {  	v62 =	vld [tilespmem:s21+$0x46B0];
	[tilespmem:s21+$0x8540] =	vst v53;
	v2 =	vadd.f32 v2, v5  }
0x51: {  	[tilespmem:s21+$0x84D0] =	vst v3;
	v1 =	vadd.f32 v54, v52  }
0x52: {  	[tilespmem:s21+$0x84E0] =	vst v2;
	v0 =	vadd.f32 v56, v55  }
0x53: {  	v3 =	vadd.f32 v58, v57;
	[tilespmem:s21+$0x84F0] =	vst v1  }
0x54: {  	v63 =	vadd.f32 v60, v59;
	[tilespmem:s21+$0x8500] =	vst v0  }
0x55: {  	s18 =	sadd.s32 $0x1, s18;
	[tilespmem:s21+$0x8510] =	vst v3;
	v1 =	vadd.f32 v62, v61  }
0x56: {  	s19 =	sshll.u32 s19, $0x1;
	p0 =	sne.s32 s18, $0xA;
	[tilespmem:s21+$0x8520] =	vst v63  }
.Ltmp1:
0x57: {  	s19 =	sadd.s32 s7, s19;
	[tilespmem:s21+$0x8530] =	vst v1;
	(pc) =	sbr.rel @p0 .LBB2_2-.Ltmp1, $4  }
0x58: {  	[hbm4b:s19+s1] =	stream.linear.scatter [tilespmem:s16], [sflag:$0x3], $0x3E80, $0x38;
	[tilespmem:$0xC350] =	vst v63  }
0x59: {  	_ =	swait.ge [sflag:s10], $0x3E80  }
0x5a: {  	[sflag:s10] =	ssyncset.done $0x0  }
0x5b: {  	[sflag:s10] =	ssyncadd.s32 $0xFFFFC180  }
0x5c: {  	s17 =	sadd.s32 $0x1, s17  }
0x5d: {  	p0 =	sne.s32 s17, s9  }
.Ltmp2:
0x5e: {  	_ = 	snop;
	(pc) =	sbr.rel @p0 .LBB2_1-.Ltmp2, $1  }
0x5f: {  	_ =	sdelay $0x3  }
0x60: {  	_ =	sfence.sel $0x180000  }
0x61: {  	[bflag:$0x0] =	sbarrier.arrive $0xFFFF  }
0x62: {  	p0 =	sne.s32 s2, $0x0;
	_ =	strace $0x90000047  }
0x63: {  	s0 =	sadd.s32 @!p0 $0x100000, s0;
	[bflag:$0x2] =	sbarrier.arrive $0xFFFF  }
0x64: {  	[sflag:s0] =	ssyncadd.tile.s32 @!p0 $0x1;
	_ =	shalt  }
.Lfunc_end2:
_tile_overlayer_lowered:
.L_overlay_start_2:
0x65: {  	(tag) =	ssettag $0x2  }
0x66: {  	s0 =	rddreg [dreg:$0x0];
	s2 =	stileid.u32  }
0x67: {  	s1 =	rddreg [dreg:$0x1];
	p0 =	sne.s32 s2, $0x0  }
0x68: {  	s3 =	rddreg [dreg:$0x2];
	[bflag:$0x3] =	sbarrier.arrive $0xFFFF;
	s2 =	simm.s32 @!p0 $0x1C03  }
0x69: {  	[timem:s3], [sflag:s2] =	dma.local @!p0 [hbm:s0], s1  }
0x6a: {  	s0 =	simm.s32 @!p0 $0x3  }
0x6b: {  	_ =	swait.ge @!p0 [sflag:s0], s1  }
0x6c: {  	s1 =	ssub.s32 @!p0 $0x0, s1;
	[sflag:s0] =	ssyncset.done @!p0 $0x0  }
0x6d: {  	[sflag:s0] =	ssyncadd.s32 @!p0 s1  }
0x6e: {  	[bflag:$0x3] =	sbarrier.arrive $0xFFFF  }
0x6f: {  	_ =	shalt  }

</sc_bundles>
